<compile_context>
chip_gen: v7x
topology: tpu7x:2x2x1
jax: 0.10.2.dev20260603
libtpu: 0.0.44.dev20260713+nightly
codegen_flags: <defaults>
</compile_context>

<pallas_src>
import jax
import jax.numpy as jnp
from jax import lax
from jax.experimental import pallas as pl
from jax.experimental.pallas import tpu as pltpu
from jax.experimental.pallas import tpu_sc as plsc

_B, _N, _M, _K = 4096, 100, 128, 64
_R = _B * _N
_NC, _NS = 2, 16
_NW = _NC * _NS
_RPW = _R // _NW
_CHUNK = 128
_NCHUNK = _RPW // _CHUNK


def _body(w_hbm, k_hbm, s_hbm, out_hbm, w_v, k_v, s_v):
    cid = lax.axis_index("c")
    sid = lax.axis_index("s")
    wid = sid * _NC + cid
    row0 = wid * _RPW

    def chunk_body(g, carry):
        rbase = row0 + g * _CHUNK
        pltpu.sync_copy(w_hbm.at[pl.ds(rbase * _M, _CHUNK * _M)], w_v)
        pltpu.sync_copy(k_hbm.at[pl.ds(rbase * _K, _CHUNK * _K)], k_v)
        pltpu.sync_copy(s_hbm.at[pl.ds(rbase * _K, _CHUNK * _K)], s_v)
        base = rbase * _M

        def row_body(r, rcarry):
            for j in range(_K // 16):
                off = r * _K + j * 16
                idx = k_v[pl.ds(off, 16)] - base
                val = s_v[pl.ds(off, 16)]
                _, last = plsc.scan_count(idx)
                plsc.store_scatter(w_v, [idx], val, mask=last)
            return rcarry

        lax.fori_loop(0, _CHUNK, row_body, 0)
        pltpu.sync_copy(w_v, out_hbm.at[pl.ds(rbase * _M, _CHUNK * _M)])
        return carry

    lax.fori_loop(0, _NCHUNK, chunk_body, 0)


@jax.jit
def kernel(w, x, src):
    bi = lax.broadcasted_iota(jnp.int32, (_B, _N, _K), 0)
    ni = lax.broadcasted_iota(jnp.int32, (_B, _N, _K), 1)
    keys = (bi * _N + ni) * _M + x
    skey, ssrc = lax.sort(
        (keys.reshape(_R * _K), src.reshape(_R * _K)),
        dimension=0, is_stable=False, num_keys=1,
    )
    mesh = plsc.VectorSubcoreMesh(core_axis_name="c", subcore_axis_name="s")
    kfn = pl.kernel(
        _body,
        out_type=jax.ShapeDtypeStruct((_R * _M,), jnp.float32),
        mesh=mesh,
        compiler_params=pltpu.CompilerParams(needs_layout_passes=False),
        scratch_types=[
            pltpu.VMEM((_CHUNK * _M,), jnp.float32),
            pltpu.VMEM((_CHUNK * _K,), jnp.int32),
            pltpu.VMEM((_CHUNK * _K,), jnp.float32),
        ],
    )
    out = kfn(w.reshape(_R * _M), skey, ssrc)
    return out.reshape(_B, _N, _M)

# --- scband reference (transcript-rebuilt; emitter-appended) ---
"""Pipeline reference for scband-my-model-46153718562953 (READ-ONLY COPY).

The authoritative reference and input builder live on the scoring server;
editing this copy changes nothing except your own understanding.
"""

import jax, jax.numpy as jnp
import numpy as np

B, N, M, K = 4096, 100, 128, 64


def setup_inputs(seed: int = 0) -> dict:
    key = jax.random.key(seed)
    k1, k2, k3 = jax.random.split(key, 3)
    w = jax.random.normal(k1, (B, N, M), dtype=jnp.float32)
    x = jax.random.randint(k2, (B, N, K), 0, M, dtype=jnp.int32)
    src = jax.random.normal(k3, (B, N, K), dtype=jnp.float32)
    return {"w": w, "x": x, "src": src}


def reference(w, x, src):
    # torch: w.scatter(2, x, src) -> overwrite along last dim at indices x
    b, n, k = x.shape
    bi = jnp.arange(b)[:, None, None]
    ni = jnp.arange(n)[None, :, None]
    out = w.at[bi, ni, x].set(src)
    return out

if __name__ == "__main__":
    import jax
    _d = setup_inputs()
    print(jax.jit(kernel)(*tuple(_d.values())))

</pallas_src>

<mosaic_0001>
#map = affine_map<(d0, d1) -> (0)>
module attributes {stable_mosaic.version = 14 : i64} {
  func.func @_body(%arg0: i32, %arg1: i32, %arg2: memref<52428800xf32, #tpu.memory_space<hbm>>, %arg3: memref<26214400xi32, #tpu.memory_space<hbm>>, %arg4: memref<26214400xf32, #tpu.memory_space<hbm>>, %arg5: memref<52428800xf32, #tpu.memory_space<hbm>>, %arg6: memref<16384xf32, #tpu.memory_space<vmem>>, %arg7: memref<8192xi32, #tpu.memory_space<vmem>>, %arg8: memref<8192xf32, #tpu.memory_space<vmem>>) attributes {dimension_semantics = [#tpu.dimension_semantics<core_parallel>, #tpu.dimension_semantics<subcore_parallel>], iteration_bounds = array<i64: 2, 16>, scalar_prefetch = 0 : i64, scratch_operands = 3 : i64, tpu.core_type = #tpu.core_type<sc_vector_subcore>, window_params = [{transform_indices = #map}, {transform_indices = #map}, {transform_indices = #map}, {transform_indices = #map}]} {
    %mul3A = arith.constant 2 : i32
    %mul3A_0 = arith.muli %arg1, %mul3A : i32
    %add3A = arith.addi %mul3A_0, %arg0 : i32
    %mul3A_1 = arith.constant 12800 : i32
    %mul3A_2 = arith.muli %add3A, %mul3A_1 : i32
    %scan3A = arith.constant 0 : i32
    %scan3A_3 = arith.constant 0 : i32
    %scan3A_4 = arith.constant 100 : i32
    %scan3A_5 = arith.addi %scan3A_3, %scan3A_4 : i32
    %scan3A_6 = arith.constant 1 : i32
    scf.for %scan3A_8 = %scan3A_3 to %scan3A_5 step %scan3A_6  : i32 {
      %mul3A_9 = arith.constant 128 : i32
      %mul3A_10 = arith.muli %scan3A_8, %mul3A_9 : i32
      %add3A_11 = arith.addi %mul3A_2, %mul3A_10 : i32
      %mul3A_12 = arith.constant 128 : i32
      %mul3A_13 = arith.muli %add3A_11, %mul3A_12 : i32
      "tpu.region"() ({
        %run_scoped3A = tpu.sem_alloc : memref<!tpu.dma_semaphore, #tpu.memory_space<semaphore_mem>>
        %dma_start3A = tpu.memref_slice %arg2[%mul3A_13] : memref<52428800xf32, #tpu.memory_space<hbm>> -> memref<16384xf32, #tpu.memory_space<hbm>>
        %dma_start3A_28 = tpu.memref_slice %arg2[%mul3A_13] : memref<52428800xf32, #tpu.memory_space<hbm>> -> memref<16384xf32, #tpu.memory_space<hbm>>
        tpu.enqueue_dma source(%dma_start3A_28 : memref<16384xf32, #tpu.memory_space<hbm>>) target(%arg6 : memref<16384xf32, #tpu.memory_space<vmem>>) target_semaphore(%run_scoped3A : memref<!tpu.dma_semaphore, #tpu.memory_space<semaphore_mem>>)
        %dma_wait3A = tpu.memref_slice %arg2[%mul3A_13] : memref<52428800xf32, #tpu.memory_space<hbm>> -> memref<16384xf32, #tpu.memory_space<hbm>>
        %dma_wait3A_29 = tpu.memref_slice %arg2[%mul3A_13] : memref<52428800xf32, #tpu.memory_space<hbm>> -> memref<16384xf32, #tpu.memory_space<hbm>>
        tpu.wait_dma2 semaphore(%run_scoped3A : memref<!tpu.dma_semaphore, #tpu.memory_space<semaphore_mem>>) src(%dma_wait3A_29 : memref<16384xf32, #tpu.memory_space<hbm>>) dst(%arg6 : memref<16384xf32, #tpu.memory_space<vmem>>)
        tpu.yield
      }) : () -> ()
      %mul3A_14 = arith.constant 64 : i32
      %mul3A_15 = arith.muli %add3A_11, %mul3A_14 : i32
      "tpu.region"() ({
        %run_scoped3A = tpu.sem_alloc : memref<!tpu.dma_semaphore, #tpu.memory_space<semaphore_mem>>
        %dma_start3A = tpu.memref_slice %arg3[%mul3A_15] : memref<26214400xi32, #tpu.memory_space<hbm>> -> memref<8192xi32, #tpu.memory_space<hbm>>
        %dma_start3A_28 = tpu.memref_slice %arg3[%mul3A_15] : memref<26214400xi32, #tpu.memory_space<hbm>> -> memref<8192xi32, #tpu.memory_space<hbm>>
        tpu.enqueue_dma source(%dma_start3A_28 : memref<8192xi32, #tpu.memory_space<hbm>>) target(%arg7 : memref<8192xi32, #tpu.memory_space<vmem>>) target_semaphore(%run_scoped3A : memref<!tpu.dma_semaphore, #tpu.memory_space<semaphore_mem>>)
        %dma_wait3A = tpu.memref_slice %arg3[%mul3A_15] : memref<26214400xi32, #tpu.memory_space<hbm>> -> memref<8192xi32, #tpu.memory_space<hbm>>
        %dma_wait3A_29 = tpu.memref_slice %arg3[%mul3A_15] : memref<26214400xi32, #tpu.memory_space<hbm>> -> memref<8192xi32, #tpu.memory_space<hbm>>
        tpu.wait_dma2 semaphore(%run_scoped3A : memref<!tpu.dma_semaphore, #tpu.memory_space<semaphore_mem>>) src(%dma_wait3A_29 : memref<8192xi32, #tpu.memory_space<hbm>>) dst(%arg7 : memref<8192xi32, #tpu.memory_space<vmem>>)
        tpu.yield
      }) : () -> ()
      %mul3A_16 = arith.constant 64 : i32
      %mul3A_17 = arith.muli %add3A_11, %mul3A_16 : i32
      "tpu.region"() ({
        %run_scoped3A = tpu.sem_alloc : memref<!tpu.dma_semaphore, #tpu.memory_space<semaphore_mem>>
        %dma_start3A = tpu.memref_slice %arg4[%mul3A_17] : memref<26214400xf32, #tpu.memory_space<hbm>> -> memref<8192xf32, #tpu.memory_space<hbm>>
        %dma_start3A_28 = tpu.memref_slice %arg4[%mul3A_17] : memref<26214400xf32, #tpu.memory_space<hbm>> -> memref<8192xf32, #tpu.memory_space<hbm>>
        tpu.enqueue_dma source(%dma_start3A_28 : memref<8192xf32, #tpu.memory_space<hbm>>) target(%arg8 : memref<8192xf32, #tpu.memory_space<vmem>>) target_semaphore(%run_scoped3A : memref<!tpu.dma_semaphore, #tpu.memory_space<semaphore_mem>>)
        %dma_wait3A = tpu.memref_slice %arg4[%mul3A_17] : memref<26214400xf32, #tpu.memory_space<hbm>> -> memref<8192xf32, #tpu.memory_space<hbm>>
        %dma_wait3A_29 = tpu.memref_slice %arg4[%mul3A_17] : memref<26214400xf32, #tpu.memory_space<hbm>> -> memref<8192xf32, #tpu.memory_space<hbm>>
        tpu.wait_dma2 semaphore(%run_scoped3A : memref<!tpu.dma_semaphore, #tpu.memory_space<semaphore_mem>>) src(%dma_wait3A_29 : memref<8192xf32, #tpu.memory_space<hbm>>) dst(%arg8 : memref<8192xf32, #tpu.memory_space<vmem>>)
        tpu.yield
      }) : () -> ()
      %mul3A_18 = arith.constant 128 : i32
      %mul3A_19 = arith.muli %add3A_11, %mul3A_18 : i32
      %scan3A_20 = arith.constant 0 : i32
      %scan3A_21 = arith.constant 0 : i32
      %scan3A_22 = arith.constant 128 : i32
      %scan3A_23 = arith.addi %scan3A_21, %scan3A_22 : i32
      %scan3A_24 = arith.constant 1 : i32
      scf.for %scan3A_28 = %scan3A_21 to %scan3A_23 step %scan3A_24  : i32 {
        %mul3A_29 = arith.constant 64 : i32
        %mul3A_30 = arith.muli %scan3A_28, %mul3A_29 : i32
        %add3A_31 = arith.constant 0 : i32
        %add3A_32 = arith.addi %mul3A_30, %add3A_31 : i32
        %get3A = arith.index_cast %add3A_32 : i32 to index
        %get3A_33 = tpu.vector_load %arg7[%get3A] {strides = array<i32>} : memref<8192xi32, #tpu.memory_space<vmem>>, vector<16xi32>,
        %sub3A = vector.broadcast %mul3A_19 : i32 to vector<16xi32>
        %sub3A_34 = arith.subi %get3A_33, %sub3A : vector<16xi32>
        %get3A_35 = arith.index_cast %add3A_32 : i32 to index
        %get3A_36 = tpu.vector_load %arg8[%get3A_35] {strides = array<i32>} : memref<8192xf32, #tpu.memory_space<vmem>>, vector<16xf32>,
        %broadcast_in_dim3A = arith.constant true
        %broadcast_in_dim3A_37 = vector.broadcast %broadcast_in_dim3A : i1 to vector<16xi1>
        %unique3A, %unique3A_38 = tpu.scan_count mask(%broadcast_in_dim3A_37 : vector<16xi1>) value(%sub3A_34 : vector<16xi32>) : vector<16xi1>, vector<16xi32>
        tpu.vector_store_idx %arg6[%sub3A_34], %get3A_36 masked %unique3A : memref<16384xf32, #tpu.memory_space<vmem>>[vector<16xi32>], vector<16xf32>, vector<16xi1>
        %mul3A_39 = arith.constant 64 : i32
        %mul3A_40 = arith.muli %scan3A_28, %mul3A_39 : i32
        %add3A_41 = arith.constant 16 : i32
        %add3A_42 = arith.addi %mul3A_40, %add3A_41 : i32
        %get3A_43 = arith.index_cast %add3A_42 : i32 to index
        %get3A_44 = tpu.vector_load %arg7[%get3A_43] {strides = array<i32>} : memref<8192xi32, #tpu.memory_space<vmem>>, vector<16xi32>,
        %sub3A_45 = vector.broadcast %mul3A_19 : i32 to vector<16xi32>
        %sub3A_46 = arith.subi %get3A_44, %sub3A_45 : vector<16xi32>
        %get3A_47 = arith.index_cast %add3A_42 : i32 to index
        %get3A_48 = tpu.vector_load %arg8[%get3A_47] {strides = array<i32>} : memref<8192xf32, #tpu.memory_space<vmem>>, vector<16xf32>,
        %broadcast_in_dim3A_49 = arith.constant true
        %broadcast_in_dim3A_50 = vector.broadcast %broadcast_in_dim3A_49 : i1 to vector<16xi1>
        %unique3A_51, %unique3A_52 = tpu.scan_count mask(%broadcast_in_dim3A_50 : vector<16xi1>) value(%sub3A_46 : vector<16xi32>) : vector<16xi1>, vector<16xi32>
        tpu.vector_store_idx %arg6[%sub3A_46], %get3A_48 masked %unique3A_51 : memref<16384xf32, #tpu.memory_space<vmem>>[vector<16xi32>], vector<16xf32>, vector<16xi1>
        %mul3A_53 = arith.constant 64 : i32
        %mul3A_54 = arith.muli %scan3A_28, %mul3A_53 : i32
        %add3A_55 = arith.constant 32 : i32
        %add3A_56 = arith.addi %mul3A_54, %add3A_55 : i32
        %get3A_57 = arith.index_cast %add3A_56 : i32 to index
        %get3A_58 = tpu.vector_load %arg7[%get3A_57] {strides = array<i32>} : memref<8192xi32, #tpu.memory_space<vmem>>, vector<16xi32>,
        %sub3A_59 = vector.broadcast %mul3A_19 : i32 to vector<16xi32>
        %sub3A_60 = arith.subi %get3A_58, %sub3A_59 : vector<16xi32>
        %get3A_61 = arith.index_cast %add3A_56 : i32 to index
        %get3A_62 = tpu.vector_load %arg8[%get3A_61] {strides = array<i32>} : memref<8192xf32, #tpu.memory_space<vmem>>, vector<16xf32>,
        %broadcast_in_dim3A_63 = arith.constant true
        %broadcast_in_dim3A_64 = vector.broadcast %broadcast_in_dim3A_63 : i1 to vector<16xi1>
        %unique3A_65, %unique3A_66 = tpu.scan_count mask(%broadcast_in_dim3A_64 : vector<16xi1>) value(%sub3A_60 : vector<16xi32>) : vector<16xi1>, vector<16xi32>
        tpu.vector_store_idx %arg6[%sub3A_60], %get3A_62 masked %unique3A_65 : memref<16384xf32, #tpu.memory_space<vmem>>[vector<16xi32>], vector<16xf32>, vector<16xi1>
        %mul3A_67 = arith.constant 64 : i32
        %mul3A_68 = arith.muli %scan3A_28, %mul3A_67 : i32
        %add3A_69 = arith.constant 48 : i32
        %add3A_70 = arith.addi %mul3A_68, %add3A_69 : i32
        %get3A_71 = arith.index_cast %add3A_70 : i32 to index
        %get3A_72 = tpu.vector_load %arg7[%get3A_71] {strides = array<i32>} : memref<8192xi32, #tpu.memory_space<vmem>>, vector<16xi32>,
        %sub3A_73 = vector.broadcast %mul3A_19 : i32 to vector<16xi32>
        %sub3A_74 = arith.subi %get3A_72, %sub3A_73 : vector<16xi32>
        %get3A_75 = arith.index_cast %add3A_70 : i32 to index
        %get3A_76 = tpu.vector_load %arg8[%get3A_75] {strides = array<i32>} : memref<8192xf32, #tpu.memory_space<vmem>>, vector<16xf32>,
        %broadcast_in_dim3A_77 = arith.constant true
        %broadcast_in_dim3A_78 = vector.broadcast %broadcast_in_dim3A_77 : i1 to vector<16xi1>
        %unique3A_79, %unique3A_80 = tpu.scan_count mask(%broadcast_in_dim3A_78 : vector<16xi1>) value(%sub3A_74 : vector<16xi32>) : vector<16xi1>, vector<16xi32>
        tpu.vector_store_idx %arg6[%sub3A_74], %get3A_76 masked %unique3A_79 : memref<16384xf32, #tpu.memory_space<vmem>>[vector<16xi32>], vector<16xf32>, vector<16xi1>
      }
      %scan3A_25 = arith.constant 128 : i32
      %mul3A_26 = arith.constant 128 : i32
      %mul3A_27 = arith.muli %add3A_11, %mul3A_26 : i32
      "tpu.region"() ({
        %run_scoped3A = tpu.sem_alloc : memref<!tpu.dma_semaphore, #tpu.memory_space<semaphore_mem>>
        %dma_start3A = tpu.memref_slice %arg5[%mul3A_27] : memref<52428800xf32, #tpu.memory_space<hbm>> -> memref<16384xf32, #tpu.memory_space<hbm>>
        %dma_start3A_28 = tpu.memref_slice %arg5[%mul3A_27] : memref<52428800xf32, #tpu.memory_space<hbm>> -> memref<16384xf32, #tpu.memory_space<hbm>>
        tpu.enqueue_dma source(%arg6 : memref<16384xf32, #tpu.memory_space<vmem>>) target(%dma_start3A_28 : memref<16384xf32, #tpu.memory_space<hbm>>) target_semaphore(%run_scoped3A : memref<!tpu.dma_semaphore, #tpu.memory_space<semaphore_mem>>)
        %dma_wait3A = tpu.memref_slice %arg5[%mul3A_27] : memref<52428800xf32, #tpu.memory_space<hbm>> -> memref<16384xf32, #tpu.memory_space<hbm>>
        %dma_wait3A_29 = tpu.memref_slice %arg5[%mul3A_27] : memref<52428800xf32, #tpu.memory_space<hbm>> -> memref<16384xf32, #tpu.memory_space<hbm>>
        tpu.wait_dma2 semaphore(%run_scoped3A : memref<!tpu.dma_semaphore, #tpu.memory_space<semaphore_mem>>) src(%arg6 : memref<16384xf32, #tpu.memory_space<vmem>>) dst(%dma_wait3A_29 : memref<16384xf32, #tpu.memory_space<hbm>>)
        tpu.yield
      }) : () -> ()
    }
    %scan3A_7 = arith.constant 100 : i32
    return
  }
}

</mosaic_0001>

<sc_bundles>
// kernel: kernel.3.cloned.1.call-start
scs
__scs_entry_jumppad:
0x0: {  	(pc) =	sbr.rel $0x88, $3  }
0x1: {  	(tag) =	ssettag $0x0;
	lr =	simm.s32 $0x1  }
0x2: {  	[smem:$0x3F9E] =	sst lr;
	_ =	strace $0xD0000000  }
0x3: {  	_ = 	snop  }
0x4: {  	_ = 	snop  }
0x5: {  	_ = 	snop  }
0x6: {  	_ = 	snop  }
0x7: {  	_ = 	snop  }
__scs_overlays_trampoline_lowered:
0x8: {  	[smem:$0x3FAD] =	sst s0  }
0x9: {  	[smem:$0x3FAE] =	sst s1  }
0xa: {  	[smem:$0x3FAF] =	sst s2  }
0xb: {  	[smem:$0x3FB0] =	sst s3  }
0xc: {  	[smem:$0x3FB1] =	sst s4  }
0xd: {  	[smem:$0x3FB2] =	sst s5  }
0xe: {  	[smem:$0x3FB3] =	sst s6  }
0xf: {  	[smem:$0x3FB4] =	sst s7  }
0x10: {  	[smem:$0x3FB5] =	sst s8  }
0x11: {  	[smem:$0x3FB6] =	sst s9;
	s0 =	simm.s32 @!p0 $0x0  }
0x12: {  	s1 =	sld [smem:$0x3F9C];
	s0 =	simm.s32 @p0 $0x1  }
0x13: {  	[smem:$0x3FB7] =	sst s0;
	s0 =	simm.s32 @!p1 $0x0  }
0x14: {  	s2 =	sld [smem:$0x3F9B];
	s0 =	simm.s32 @p1 $0x1  }
0x15: {  	[smem:$0x3FB8] =	sst s0;
	s0 =	simm.s32 @!p2 $0x0  }
0x16: {  	s3 =	sld [smem:$0x3FDB];
	s0 =	simm.s32 @p2 $0x1  }
0x17: {  	s4 =	simm.s32 $0x1BF5;
	[smem:$0x3FBA] =	sst s0  }
0x18: {  	s0 =	sld [smem:$0x3F9D];
	_ =	swait.ge [sflag:s4], $0x0  }
0x19: {  	s7 =	sld [smem:$0x3F9E]  }
0x1a: {  	s8 =	sadd.s32 $0xFFFFE003, lr  }
0x1b: {  	s9 =	sadd.s32 $0xFFFFFEF7, lr;
	s5 =	simm.s32 $0xFFFFFFFF;
	p2 =	slt.u32 s8, $0xFFFFF086  }
0x1c: {  	p1 =	slt.u32 s9, $0xF7A;
	s5 =	simm.s32 @!p2 $0x0  }
0x1d: {  	s5 =	simm.s32 @p1 $0x1;
	p0 =	seq.s32 s7, s2  }
0x1e: {  	s7 =	smul.u32 @!p0 $0xF7A, s2;
	p2 =	seq.s32 @!p0 s5, $0x0  }
0x1f: {  	s9 =	smul.u32 $0xF7A, s1;
	s8 =	simm.s32 @!p0 $0x1BF5;
	p2 =	por !p2, p0  }
0x20: {  	[sflag:s8] =	ssyncset.s32 @!p0 $0xFFFFF086;
	s6 =	sadd.s32 @!p0 s3, s7;
	s7 =	simm.s32 @!p0 $0x108  }
0x21: {  	s3 =	sadd.s32 s3, s9;
	s6 =	sadd.s32 @!p0 $0x88, s6;
	s7 =	simm.s32 @p2 $0x1082  }
0x22: {  	[simem:s7], [sflag:s8] =	dma.local @!p0 [hbm:s6], $0xF7A  }
0x23: {  	s9 =	sor.u32 $0xD0000000, s2;
	s6 =	simm.s32 $0x108;
	_ =	swait.ge @!p0 [sflag:s8], $0x0  }
0x24: {  	s3 =	sadd.s32 $0x88, s3;
	s6 =	simm.s32 @!p1 $0x1082;
	[sflag:s4] =	ssyncset.s32 $0xFFFFF086  }
0x25: {  	[simem:s6], [sflag:s4] =	dma.local [hbm:s3], $0xF7A  }
0x26: {  	[smem:$0x3F9E] =	sst s1;
	(tag) =	ssettag s2;
	_ =	strace s9  }
0x27: {  	s1 =	sld [smem:$0x3FAE]  }
0x28: {  	s2 =	sld [smem:$0x3FAF]  }
0x29: {  	s4 =	sld [smem:$0x3FB1]  }
0x2a: {  	p0 =	seq.s32 s5, $0x0;
	s5 =	sld [smem:$0x3FB2]  }
0x2b: {  	s6 =	sld [smem:$0x3FB3]  }
0x2c: {  	s7 =	sld [smem:$0x3FB4]  }
0x2d: {  	s3 =	simm.s32 $0x108;
	s8 =	sld [smem:$0x3FB5]  }
0x2e: {  	s3 =	simm.s32 @!p0 $0x1082;
	s9 =	sld [smem:$0x3FB6]  }
0x2f: {  	lr =	sadd.s32 s0, s3;
	s0 =	sld [smem:$0x3FAD]  }
0x30: {  	s3 =	sld [smem:$0x3FB0]  }
0x31: {  	[smem:$0x3FB9] =	sst s10  }
0x32: {  	s10 =	sld [smem:$0x3FB7];
	_ =	sdelay $0x3  }
0x33: {  	p0 =	seq.s32 s10, $0x1;
	s10 =	sld [smem:$0x3FB9];
	_ =	sdelay $0x3  }
0x34: {  	[smem:$0x3FB9] =	sst s10  }
0x35: {  	s10 =	sld [smem:$0x3FB8];
	_ =	sdelay $0x3  }
0x36: {  	p1 =	seq.s32 s10, $0x1;
	s10 =	sld [smem:$0x3FB9];
	_ =	sdelay $0x3  }
0x37: {  	[smem:$0x3FB9] =	sst s10  }
0x38: {  	s10 =	sld [smem:$0x3FBA]  }
0x39: {  	_ = 	snop;
	(pc) =	sbr.ind lr, $3  }
0x3a: {  	_ = 	snop  }
0x3b: {  	_ = 	snop  }
0x3c: {  	p2 =	seq.s32 s10, $0x1;
	s10 =	sld [smem:$0x3FB9]  }
0x3d: {  	_ =	shalt  }
0x3e: {  	_ =	shalt  }
0x3f: {  	_ =	shalt  }
0x40: {  	_ =	shalt  }
0x41: {  	_ =	shalt  }
0x42: {  	_ =	shalt  }
0x43: {  	_ =	shalt  }
0x44: {  	_ =	shalt  }
0x45: {  	_ =	shalt  }
0x46: {  	_ =	shalt  }
0x47: {  	_ =	shalt  }
0x48: {  	_ =	shalt  }
0x49: {  	_ =	shalt  }
0x4a: {  	_ =	shalt  }
0x4b: {  	_ =	shalt  }
0x4c: {  	_ =	shalt  }
0x4d: {  	_ =	shalt  }
0x4e: {  	_ =	shalt  }
0x4f: {  	_ =	shalt  }
0x50: {  	_ =	shalt  }
0x51: {  	_ =	shalt  }
0x52: {  	_ =	shalt  }
0x53: {  	_ =	shalt  }
0x54: {  	_ =	shalt  }
0x55: {  	_ =	shalt  }
0x56: {  	_ =	shalt  }
0x57: {  	_ =	shalt  }
0x58: {  	_ =	shalt  }
0x59: {  	_ =	shalt  }
0x5a: {  	_ =	shalt  }
0x5b: {  	_ =	shalt  }
0x5c: {  	_ =	shalt  }
0x5d: {  	_ =	shalt  }
0x5e: {  	_ =	shalt  }
0x5f: {  	_ =	shalt  }
0x60: {  	_ =	shalt  }
0x61: {  	_ =	shalt  }
0x62: {  	_ =	shalt  }
0x63: {  	_ =	shalt  }
0x64: {  	_ =	shalt  }
0x65: {  	_ =	shalt  }
0x66: {  	_ =	shalt  }
0x67: {  	_ =	shalt  }
0x68: {  	_ =	shalt  }
0x69: {  	_ =	shalt  }
0x6a: {  	_ =	shalt  }
0x6b: {  	_ =	shalt  }
0x6c: {  	_ =	shalt  }
0x6d: {  	_ =	shalt  }
0x6e: {  	_ =	shalt  }
0x6f: {  	_ =	shalt  }
0x70: {  	_ =	shalt  }
0x71: {  	_ =	shalt  }
0x72: {  	_ =	shalt  }
0x73: {  	_ =	shalt  }
0x74: {  	_ =	shalt  }
0x75: {  	_ =	shalt  }
0x76: {  	_ =	shalt  }
0x77: {  	_ =	shalt  }
0x78: {  	_ =	shalt  }
0x79: {  	_ =	shalt  }
0x7a: {  	_ =	shalt  }
0x7b: {  	_ =	shalt  }
0x7c: {  	_ =	shalt  }
0x7d: {  	_ =	shalt  }
0x7e: {  	_ =	shalt  }
0x7f: {  	_ =	shalt  }
0x80: {  	_ =	shalt  }
0x81: {  	_ =	shalt  }
0x82: {  	_ =	shalt  }
0x83: {  	_ =	shalt  }
0x84: {  	_ =	shalt  }
0x85: {  	_ =	shalt  }
0x86: {  	_ =	shalt  }
0x87: {  	_ =	shalt  }
.Lfunc_end0:
.L_simem_size_0:
called_computation.2_lowered:
.L_overlay_start_0:
0x88: {  	s2 =	sld [smem:$0x3FD9]  }
0x89: {  	s3 =	sld [smem:$0x3FFE];
	_ =	sdelay $0x1  }
0x8a: {  	s1 =	srdreg.scid  }
0x8b: {  	s0 =	sand.u32 $0x1, s1  }
0x8c: {  	s17 =	sshll.u32 s0, $0xA;
	s2 =	sadd.s32 s3, s2  }
0x8d: {  	s2 =	sadd.s32 s2, s17  }
0x8e: {  	[smem:$0x3FC5] =	sst s2  }
0x8f: {  	_ = 	snop  }
0x90: {  	s2 =	sld [smem:$0x3FD0];
	(tm) =	ssettm $0x1  }
0x91: {  	s18 =	sld [smem:$0x3FFB];
	_ =	sdelay $0x3  }
0x92: {  	_ =	strace s18  }
0x93: {  	s3 =	sld [smem:$0x3FFC];
	_ =	sdelay $0x3  }
0x94: {  	_ =	strace s3  }
0x95: {  	s3 =	sld [smem:$0x3FFD];
	_ =	sdelay $0x3  }
0x96: {  	_ =	strace s3  }
0x97: {  	_ =	strace $0x8FFFFFFF  }
0x98: {  	s19 =	sld [smem:$0x3FDB];
	_ =	sdelay $0x1  }
0x99: {  	s4 =	simm.s32 $_scs_section_size  }
0x9a: {  	s5 =	simm.s32 $_size__tile_overlayer_lowered;
	s6 =	simm.s32 $_tile_overlayer_lowered  }
0x9b: {  	s22 =	simm.s32 $0x1BFF;
	s21 =	sshll.u32 s6, $0x1;
	s3 =	sadd.s32 s4, s19  }
0x9c: {  	s7 =	simm.s32 $0x0;
	s20 =	sshll.u32 s5, $0x1;
	s5 =	sadd.s32 s21, s3  }
0x9d: {  	[timem:s7], [sflag:s22] =	dma.local [hbm:s5], s20  }
0x9e: {  	_ =	swait.ge [sflag:s22], s20  }
0x9f: {  	s4 =	ssub.s32 $0x0, s20;
	[sflag:s22] =	ssyncset.done $0x0  }
0xa0: {  	[sflag:s22] =	ssyncadd.s32 s4;
	_ =	sdelay $0x1  }
0xa1: {  	s23 =	simm.s32 $0x1B8B  }
0xa2: {  	_ =	swait.ge [sflag:s23], $0x1  }
0xa3: {  	[sflag:s23] =	ssyncset.done $0x0  }
0xa4: {  	s25 =	simm.s32 $0x1B8E;
	s24 =	sld [smem:$0x3FFE];
	[sflag:s23] =	ssyncadd.s32 $0xFFFFFFFF  }
0xa5: {  	s26 =	simm.s32 $execute0_lowered;
	[smem:$0x3FD2] =	sst s25  }
0xa6: {  	s5 =	sshll.u32 s26, $0x1;
	_ =	strace $0x80000049;
	[dreg:$0x1] =	wrdreg $0xFFFFFFFF  }
0xa7: {  	s28 =	simm.s32 $_size_execute0_lowered;
	s3 =	sadd.s32 s3, s5;
	[dreg:$0x0] =	wrdreg $0x0  }
0xa8: {  	s5 =	sshll.u32 s28, $0x1;
	[dreg:$0x2] =	wrdreg s3  }
0xa9: {  	[dreg:$0x3] =	wrdreg s5  }
0xaa: {  	[dreg:$0x4] =	wrdreg $0xC0  }
0xab: {  	_ =	task [dreg:s7], $0x5FFFF  }
0xac: {  	[dreg:$0x1] =	wrdreg $0xFFFFFFFF  }
0xad: {  	[dreg:$0x0] =	wrdreg $0x60  }
0xae: {  	[dreg:$0x2] =	wrdreg s2  }
0xaf: {  	[dreg:$0x3] =	wrdreg s24  }
0xb0: {  	[dreg:$0x4] =	wrdreg $0x9  }
0xb1: {  	_ =	task.clear_ibuf [dreg:s7], $0x5FFFF;
	_ =	strace $0x90000049  }
0xb2: {  	s29 =	simm.s32 $0x9;
	_ =	strace $0x8000004B  }
0xb3: {  	_ =	swait.ge [sflag:s29], $0x1  }
0xb4: {  	[sflag:s29] =	ssyncadd.s32 $0xFFFFFFFF  }
0xb5: {  	_ =	strace $0x9000004B  }
0xb6: {  	_ =	sfence  }
0xb7: {  	s30 =	sld [smem:$0x0];
	_ =	sdelay $0x2  }
0xb8: {  	s31 =	sshll.u32 s1, $0xD;
	s1 =	sshrl.u32 s1, $0x2  }
0xb9: {  	s3 =	sand.u32 $0x4000, s31;
	s1 =	sadd.s32 s1, s30  }
0xba: {  	s0 =	sor.u32 s3, s0;
	s1 =	sshll.u32 s1, $0x11  }
0xbb: {  	s0 =	sor.u32 s1, s0  }
0xbc: {  	s0 =	sadd.s32 $0x8F2B, s0  }
0xbd: {  	[sflag:s0] =	ssyncadd.remote.s32 $0x1  }
0xbe: {  	_ =	sfence.sel $0xFFFF  }
0xbf: {  	[dreg:$0x0] =	wrdreg $0xFFFFFFFF;
	(pc) =	sbr.abs _section_cstart, $3  }
0xc0: {  	[dreg:$0x1] =	wrdreg $0xFFFFFFFF  }
0xc1: {  	_ =	task.clear_ibuf [dreg:s7], $0x2FFFF;
	_ =	strace $0x9FFFFFFF  }
0xc2: {  	(tm) =	ssettm $0x7FFFFFFF  }
0xc3: {  	_ =	shalt  }
tec
execute0_lowered:
.L_overlay_start_1:
0x0: {  	(tag) =	ssettag $0x1  }
0x1: {  	s1 =	rddreg [dreg:$0x0]  }
0x2: {  	s6 =	rddreg [dreg:$0x1]  }
0x3: {  	s0 =	rddreg [dreg:$0x2];
	s2 =	simm.s32 $0x0;
	s3 =	srdreg.scid  }
0x4: {  	s11 =	simm.s32 $0x6000;
	s12 =	simm.s32 $0x0;
	[smem:$0x7FF] =	sst s2  }
0x5: {  	s7 =	sand.u32 $0x1, s3;
	s4 =	sadd.s32 $0x600, s6;
	s3 =	stileid.u32  }
0x6: {  	s5 =	sadd.s32 $0x1020600, s6;
	s6 =	sadd.s32 $0x320600, s6;
	s8 =	ssub.s32 $0x2, s7  }
0x7: {  	_ =	strace $0x8000004A;
	s10 =	sshll.u32 s3, $0x1;
	s9 =	sshrl.u32 s8, $0x1  }
0x8: {  	s7 =	sor.u32 s7, s10;
	s10 =	simm.s32 $0x4000;
	s8 =	ssub.s32 s8, s9  }
0x9: {  	s7 =	smul.u32 $0x3200, s7;
	s9 =	simm.s32 $0x1;
	s8 =	smax.u32 s8, $0x1  }
.LBB2_1:
0xa: {  	s13 =	simm.s32 $0x0  }
.LBB2_2:
0xb: {  	s14 =	sshll.u32 s13, $0x7  }
0xc: {  	s16 =	sadd.s32 s7, s14  }
0xd: {  	s14 =	sshll.u32 s16, $0x4  }
0xe: {  	s15 =	simm.s32 $0x0;
	s17 =	sadd.s32 s1, s14  }
0xf: {  	[tilespmem:s15], [sflag:$0x1] =	stream.linear.gather [hbm4b:s17+s15], $0x4000, $0x38;
	[tilespmem:$0x8000] =	vst v63  }
0x10: {  	_ =	swait.ge [sflag:s9], $0x4000  }
0x11: {  	s31 =	sshll.u32 s16, $0x3;
	[sflag:s9] =	ssyncset.done $0x0  }
0x12: {  	s18 =	sadd.s32 s4, s31;
	[sflag:s9] =	ssyncadd.s32 $0xFFFFC000  }
0x13: {  	[tilespmem:s10], [sflag:$0x1] =	stream.linear.gather [hbm4b:s18+s15], $0x2000, $0x38;
	[tilespmem:$0x8000] =	vst v63  }
0x14: {  	_ =	swait.ge [sflag:s9], $0x2000  }
0x15: {  	[sflag:s9] =	ssyncset.done $0x0  }
0x16: {  	s17 =	sadd.s32 s5, s31;
	[sflag:s9] =	ssyncadd.s32 $0xFFFFE000  }
0x17: {  	[tilespmem:s11], [sflag:$0x1] =	stream.linear.gather [hbm4b:s17+s15], $0x2000, $0x38;
	[tilespmem:$0x8000] =	vst v63  }
0x18: {  	_ =	swait.ge [sflag:s9], $0x2000  }
0x19: {  	s16 =	sshll.u32 s16, $0x7;
	[sflag:s9] =	ssyncset.done $0x0  }
0x1a: {  	v0 =	vmov s16;
	[sflag:s9] =	ssyncadd.s32 $0xFFFFE000  }
.LBB2_3:
0x1b: {  	s16 =	sshra.s32 s15, $0x2  }
0x1c: {  	v1 =	vld [tilespmem:s16+$0x4000];
	_ =	sdelay $0x4  }
0x1d: {  	v2 =	vsub.s32 v1, v0  }
0x1e: {  	(xrf1) =	vunique.msk.u32 $0xffff, v2;
	_ =	sdelay $0xd  }
0x1f: {  	v1 =	vand.u32 $0x7F, v1;
	v2 =	vand.u32 $0xFFFFFF80, v2;
	_, v3, vm0 =	vpop (xrf1)  }
0x20: {  	v1 =	vor.u32 v1, v2;
	v3 =	vld [tilespmem:s16+$0x6000];
	_ =	sdelay $0x4  }
0x21: {  	[tilespmem:v1+s2+$0x0] =	vst.idx.msk vm0, v3  }
0x22: {  	v1 =	vld [tilespmem:s16+$0x4010];
	_ =	sdelay $0x4  }
0x23: {  	v2 =	vsub.s32 v1, v0  }
0x24: {  	(xrf1) =	vunique.msk.u32 $0xffff, v2;
	_ =	sdelay $0xd  }
0x25: {  	v1 =	vand.u32 $0x7F, v1;
	v2 =	vand.u32 $0xFFFFFF80, v2;
	_, v3, vm0 =	vpop (xrf1)  }
0x26: {  	v1 =	vor.u32 v1, v2;
	v3 =	vld [tilespmem:s16+$0x6010];
	_ =	sdelay $0x4  }
0x27: {  	[tilespmem:v1+s2+$0x0] =	vst.idx.msk vm0, v3  }
0x28: {  	v1 =	vld [tilespmem:s16+$0x4020];
	_ =	sdelay $0x4  }
0x29: {  	v2 =	vsub.s32 v1, v0  }
0x2a: {  	(xrf1) =	vunique.msk.u32 $0xffff, v2;
	_ =	sdelay $0xd  }
0x2b: {  	v1 =	vand.u32 $0x7F, v1;
	v2 =	vand.u32 $0xFFFFFF80, v2;
	_, v3, vm0 =	vpop (xrf1)  }
0x2c: {  	v1 =	vor.u32 v1, v2;
	v3 =	vld [tilespmem:s16+$0x6020];
	_ =	sdelay $0x4  }
0x2d: {  	[tilespmem:v1+s2+$0x0] =	vst.idx.msk vm0, v3  }
0x2e: {  	v1 =	vld [tilespmem:s16+$0x4030];
	_ =	sdelay $0x4  }
0x2f: {  	v2 =	vsub.s32 v1, v0  }
0x30: {  	(xrf1) =	vunique.msk.u32 $0xffff, v2;
	_ =	sdelay $0xd  }
0x31: {  	v1 =	vand.u32 $0x7F, v1;
	v2 =	vand.u32 $0xFFFFFF80, v2;
	_, v3, vm0 =	vpop (xrf1)  }
0x32: {  	p0 =	sne.s32 s15, $0x7F00;
	v1 =	vor.u32 v1, v2;
	v3 =	vld [tilespmem:s16+$0x6030]  }
.Ltmp0:
0x33: {  	_ = 	snop;
	(pc) =	sbr.rel @p0 .LBB2_3-.Ltmp0, $2  }
0x34: {  	_ =	sdelay $0x2  }
0x35: {  	s15 =	sadd.s32 $0x100, s15;
	[tilespmem:v1+s2+$0x0] =	vst.idx.msk vm0, v3  }
0x36: {  	s13 =	sadd.s32 $0x1, s13  }
0x37: {  	p0 =	sne.s32 s13, $0x64  }
.Ltmp1:
0x38: {  	s14 =	sadd.s32 s6, s14;
	(pc) =	sbr.rel @p0 .LBB2_2-.Ltmp1, $4  }
0x39: {  	[hbm4b:s14+s2] =	stream.linear.scatter [tilespmem:s2], [sflag:$0x1], $0x4000, $0x38;
	[tilespmem:$0x8000] =	vst v63  }
0x3a: {  	_ =	swait.ge [sflag:s9], $0x4000  }
0x3b: {  	[sflag:s9] =	ssyncset.done $0x0  }
0x3c: {  	[sflag:s9] =	ssyncadd.s32 $0xFFFFC000  }
0x3d: {  	s12 =	sadd.s32 $0x1, s12  }
0x3e: {  	p0 =	sne.s32 s12, s8  }
.Ltmp2:
0x3f: {  	_ = 	snop;
	(pc) =	sbr.rel @p0 .LBB2_1-.Ltmp2, $1  }
0x40: {  	_ =	sdelay $0x3  }
0x41: {  	_ =	sfence.sel $0x180000  }
0x42: {  	[bflag:$0x0] =	sbarrier.arrive $0xFFFF  }
0x43: {  	p0 =	sne.s32 s3, $0x0;
	_ =	strace $0x9000004A  }
0x44: {  	s0 =	sadd.s32 @!p0 $0x100000, s0;
	[bflag:$0x2] =	sbarrier.arrive $0xFFFF  }
0x45: {  	[sflag:s0] =	ssyncadd.tile.s32 @!p0 $0x1;
	_ =	shalt  }
.Lfunc_end2:
_tile_overlayer_lowered:
.L_overlay_start_2:
0x46: {  	(tag) =	ssettag $0x2  }
0x47: {  	s0 =	rddreg [dreg:$0x0];
	s2 =	stileid.u32  }
0x48: {  	s1 =	rddreg [dreg:$0x1];
	p0 =	sne.s32 s2, $0x0  }
0x49: {  	s3 =	rddreg [dreg:$0x2];
	[bflag:$0x3] =	sbarrier.arrive $0xFFFF;
	s2 =	simm.s32 @!p0 $0x1C01  }
0x4a: {  	[timem:s3], [sflag:s2] =	dma.local @!p0 [hbm:s0], s1  }
0x4b: {  	s0 =	simm.s32 @!p0 $0x1  }
0x4c: {  	_ =	swait.ge @!p0 [sflag:s0], s1  }
0x4d: {  	s1 =	ssub.s32 @!p0 $0x0, s1;
	[sflag:s0] =	ssyncset.done @!p0 $0x0  }
0x4e: {  	[sflag:s0] =	ssyncadd.s32 @!p0 s1  }
0x4f: {  	[bflag:$0x3] =	sbarrier.arrive $0xFFFF  }
0x50: {  	_ =	shalt  }

// kernel: sparse-core-data-format-call.1.cloned.1.call-start
scs
called_computation.1_lowered:
.L_overlay_start_0:
0x0: {  	s1 =	sld [smem:$0x3FD9]  }
0x1: {  	s2 =	sld [smem:$0x3FFE];
	_ =	sdelay $0x1  }
0x2: {  	s3 =	srdreg.scid  }
0x3: {  	s0 =	sand.u32 $0x1, s3  }
0x4: {  	s17 =	sshll.u32 s0, $0xA;
	s1 =	sadd.s32 s2, s1  }
0x5: {  	s1 =	sadd.s32 s1, s17  }
0x6: {  	[smem:$0x3FC5] =	sst s1  }
0x7: {  	_ = 	snop  }
0x8: {  	(tm) =	ssettm $0x1  }
0x9: {  	s18 =	sld [smem:$0x3FFB];
	_ =	sdelay $0x3  }
0xa: {  	_ =	strace s18  }
0xb: {  	s1 =	sld [smem:$0x3FFC];
	_ =	sdelay $0x3  }
0xc: {  	_ =	strace s1  }
0xd: {  	s1 =	sld [smem:$0x3FFD];
	_ =	sdelay $0x3  }
0xe: {  	_ =	strace s1  }
0xf: {  	_ =	strace $0x8FFFFFFF  }
0x10: {  	s19 =	sld [smem:$0x3FDB];
	_ =	sdelay $0x1  }
0x11: {  	s20 =	simm.s32 $_scs_section_size  }
0x12: {  	s4 =	simm.s32 $_size__tile_overlayer_lowered;
	s5 =	simm.s32 $_tile_overlayer_lowered  }
0x13: {  	s23 =	simm.s32 $0x1BFF;
	s22 =	sshll.u32 s5, $0x1;
	s1 =	sadd.s32 s20, s19  }
0x14: {  	s6 =	simm.s32 $0x0;
	s21 =	sshll.u32 s4, $0x1;
	s4 =	sadd.s32 s22, s1  }
0x15: {  	[timem:s6], [sflag:s23] =	dma.local [hbm:s4], s21  }
0x16: {  	_ =	swait.ge [sflag:s23], s21  }
0x17: {  	s2 =	ssub.s32 $0x0, s21;
	[sflag:s23] =	ssyncset.done $0x0  }
0x18: {  	[sflag:s23] =	ssyncadd.s32 s2;
	_ =	sdelay $0x1  }
0x19: {  	s24 =	simm.s32 $0x1B8B  }
0x1a: {  	_ =	swait.ge [sflag:s24], $0x1  }
0x1b: {  	[sflag:s24] =	ssyncset.done $0x0  }
0x1c: {  	s26 =	simm.s32 $0x1B8E;
	s25 =	sld [smem:$0x3FFE];
	[sflag:s24] =	ssyncadd.s32 $0xFFFFFFFF  }
0x1d: {  	s27 =	simm.s32 $execute0_lowered;
	[smem:$0x3FD2] =	sst s26  }
0x1e: {  	s4 =	sshll.u32 s27, $0x1;
	_ =	strace $0x80000046;
	[dreg:$0x1] =	wrdreg $0xFFFFFFFF  }
0x1f: {  	s28 =	simm.s32 $_size_execute0_lowered;
	s1 =	sadd.s32 s1, s4;
	[dreg:$0x0] =	wrdreg $0x0  }
0x20: {  	s4 =	sshll.u32 s28, $0x1;
	[dreg:$0x2] =	wrdreg s1  }
0x21: {  	[dreg:$0x3] =	wrdreg s4  }
0x22: {  	[dreg:$0x4] =	wrdreg $0xC0  }
0x23: {  	_ =	task [dreg:s6], $0x5FFFF  }
0x24: {  	[dreg:$0x1] =	wrdreg $0xFFFFFFFF  }
0x25: {  	[dreg:$0x0] =	wrdreg $0x60  }
0x26: {  	[dreg:$0x2] =	wrdreg s25  }
0x27: {  	[dreg:$0x3] =	wrdreg $0x9  }
0x28: {  	_ =	task.clear_ibuf [dreg:s6], $0x4FFFF;
	_ =	strace $0x90000046  }
0x29: {  	s29 =	simm.s32 $0x9;
	_ =	strace $0x80000048  }
0x2a: {  	_ =	swait.ge [sflag:s29], $0x1  }
0x2b: {  	[sflag:s29] =	ssyncadd.s32 $0xFFFFFFFF  }
0x2c: {  	_ =	strace $0x90000048  }
0x2d: {  	_ =	sfence  }
0x2e: {  	s30 =	sld [smem:$0x0];
	_ =	sdelay $0x2  }
0x2f: {  	s31 =	sshll.u32 s3, $0xD;
	s3 =	sshrl.u32 s3, $0x2  }
0x30: {  	s2 =	sand.u32 $0x4000, s31;
	s1 =	sadd.s32 s3, s30  }
0x31: {  	s0 =	sor.u32 s2, s0;
	s1 =	sshll.u32 s1, $0x11  }
0x32: {  	s0 =	sor.u32 s1, s0  }
0x33: {  	s0 =	sadd.s32 $0x8F2B, s0  }
0x34: {  	[sflag:s0] =	ssyncadd.remote.s32 $0x1  }
0x35: {  	_ =	sfence.sel $0xFFFF  }
0x36: {  	[dreg:$0x0] =	wrdreg $0xFFFFFFFF;
	(pc) =	sbr.abs _section_cstart, $3  }
0x37: {  	[dreg:$0x1] =	wrdreg $0xFFFFFFFF  }
0x38: {  	_ =	task.clear_ibuf [dreg:s6], $0x2FFFF;
	_ =	strace $0x9FFFFFFF  }
0x39: {  	(tm) =	ssettm $0x7FFFFFFF  }
tec
execute0_lowered:
.L_overlay_start_1:
0x0: {  	(tag) =	ssettag $0x1  }
0x1: {  	s0 =	stileid.u32;
	s1 =	srdreg.scid  }
0x2: {  	s6 =	rddreg [dreg:$0x0];
	s31 =	simm.s32 $0x2;
	s13 =	simm.s32 $0x0  }
0x3: {  	s9 =	simm.s32 $0x40;
	s2 =	sshll.u32 s0, $0x7;
	s1 =	sshll.u32 s1, $0xB  }
0x4: {  	s10 =	simm.s32 $0x3400;
	s14 =	simm.s32 $0x0;
	s1 =	sor.u32 s2, s1  }
0x5: {  	s12 =	simm.s32 $0x0;
	s3 =	sand.u32 $0x1, s0;
	s2 =	sand.u32 $0xF00, s1  }
0x6: {  	s5 =	ssub.s32 $0x64, s3;
	s11 =	smov.u32 s3;
	s4 =	ssub.s32 $0x1000, s2  }
0x7: {  	s1 =	rddreg [dreg:$0x1];
	s8 =	sshrl.u32 s5, $0x1;
	s7 =	sand.u32 $0xF00, s4  }
0x8: {  	s5 =	sand.u32 $0x1, s5;
	p0 =	sne.s32 s7, $0x0;
	s7 =	simm.s32 $0x1  }
.Ltmp0:
0x9: {  	s4 =	sshrl.u32 s4, $0xC;
	s7 =	simm.s32 @!p0 $0x0;
	(pc) =	sbr.rel .LBB1_1-.Ltmp0, $4  }
0xa: {  	_ =	strace $0x80000047;
	s5 =	sadd.s32 s5, s8;
	s7 =	sadd.s32 s7, s4  }
0xb: {  	s30 =	sadd.s32 s2, s6;
	s4 =	simm.s32 $0x1;
	s5 =	smul.u32 s5, s7  }
0xc: {  	s6 =	sadd.s32 $0x320600, s6;
	p0 =	por $0x0, $0x0;
	[sflag:s4] =	ssyncpa.u1 $0x0  }
0xd: {  	s7 =	sadd.s32 $0x600, s30;
	[sflag:s31] =	ssyncpa.u1 $0x0;
	s8 =	sadd.s32 $0x1, s5  }
.LBB1_4:
0xe: {  	_ = 	snop  }
0xf: {  	[tilespmem:s19+$0x1860 ss:$0x41] =	vst.msk $0xffff, v8  }
0x10: {  	[tilespmem:s19+$0x1C70 ss:$0x41] =	vst.msk $0xffff, v7  }
0x11: {  	[tilespmem:s19+$0x2490 ss:$0x41] =	vst.msk $0xffff, v1  }
0x12: {  	s22 =	sor.u32 s25, s24;
	v47 =	vld.idx.msk [tilespmem:v0+s17+$0x470 ss:$0x1], $0xffff;
	[tilespmem:s19+$0x28A0 ss:$0x41] =	vst.msk $0xffff, v2  }
0x13: {  	[tilespmem:s19+$0x2CB0 ss:$0x41] =	vst.msk $0xffff, v3;
	v57 =	vld.idx.msk [tilespmem:v0+s22+$0x410 ss:$0x1], $0xffff  }
0x14: {  	[tilespmem:s19+$0x30C0 ss:$0x41] =	vst.msk $0xffff, v4;
	v58 =	vld.idx.msk [tilespmem:v0+s22+$0x420 ss:$0x1], $0xffff  }
0x15: {  	[tilespmem:s19+$0x34D0 ss:$0x41] =	vst.msk $0xffff, v5;
	v59 =	vld.idx.msk [tilespmem:v0+s22+$0x430 ss:$0x1], $0xffff  }
0x16: {  	s30 =	sshra.s32 s20, $0x2;
	[tilespmem:s19+$0x38E0 ss:$0x41] =	vst.msk $0xffff, v6;
	v60 =	vld.idx.msk [tilespmem:v0+s22+$0x440 ss:$0x1], $0xffff  }
0x17: {  	s23 =	sand.u32 $0x3B00, s22;
	s17 =	sadd.s32 s30, s18;
	v61 =	vld.idx.msk [tilespmem:v0+s22+$0x450 ss:$0x1], $0xffff;
	[tilespmem:s19+$0x3CF0 ss:$0x41] =	vst.msk $0xffff, v47  }
0x18: {  	s21 =	sand.u32 $0x80, s21;
	v62 =	vld.idx.msk [tilespmem:v0+s22+$0x460 ss:$0x1], $0xffff;
	s16 =	sadd.s32 s23, s16;
	[tilespmem:s17+$0x2490 ss:$0x41] =	vst.msk $0xffff, v57  }
0x19: {  	v63 =	vld.idx.msk [tilespmem:v0+s22+$0x470 ss:$0x1], $0xffff;
	s16 =	sadd.s32 s21, s16;
	[tilespmem:s17+$0x28A0 ss:$0x41] =	vst.msk $0xffff, v58  }
0x1a: {  	v48 =	vld [tilespmem:s16+$0x400];
	[tilespmem:s17+$0x2CB0 ss:$0x41] =	vst.msk $0xffff, v59  }
0x1b: {  	v49 =	vld [tilespmem:s16+$0x0];
	[tilespmem:s17+$0x30C0 ss:$0x41] =	vst.msk $0xffff, v60  }
0x1c: {  	v50 =	vld [tilespmem:s16+$0x10];
	[tilespmem:s17+$0x34D0 ss:$0x41] =	vst.msk $0xffff, v61  }
0x1d: {  	v51 =	vld [tilespmem:s16+$0x20];
	[tilespmem:s17+$0x38E0 ss:$0x41] =	vst.msk $0xffff, v62  }
0x1e: {  	v52 =	vld [tilespmem:s16+$0x30];
	[tilespmem:s17+$0x3CF0 ss:$0x41] =	vst.msk $0xffff, v63  }
0x1f: {  	v53 =	vld [tilespmem:s16+$0x40];
	[tilespmem:s17+$0x2080 ss:$0x41] =	vst.msk $0xffff, v48  }
0x20: {  	s14 =	sand.u32 $0x1FFFFFF, s14;
	v54 =	vld [tilespmem:s16+$0x50];
	[tilespmem:s17+$0x0 ss:$0x41] =	vst.msk $0xffff, v49  }
0x21: {  	s31 =	smulhi.u32 $0x2762763, s14;
	v55 =	vld [tilespmem:s16+$0x60];
	[tilespmem:s17+$0x410 ss:$0x41] =	vst.msk $0xffff, v50  }
0x22: {  	v56 =	vld [tilespmem:s16+$0x70];
	[tilespmem:s17+$0x820 ss:$0x41] =	vst.msk $0xffff, v51  }
0x23: {  	s16 =	smul.u32 $0x68, s31;
	[tilespmem:s17+$0xC30 ss:$0x41] =	vst.msk $0xffff, v52  }
0x24: {  	s13 =	smul.u32 $0x680, s13;
	[tilespmem:s17+$0x1040 ss:$0x41] =	vst.msk $0xffff, v53  }
0x25: {  	s14 =	ssub.s32 s14, s16;
	[tilespmem:s17+$0x1450 ss:$0x41] =	vst.msk $0xffff, v54  }
0x26: {  	s13 =	sadd.s32 s6, s13;
	s14 =	sshll.u32 s14, $0x4;
	[tilespmem:s17+$0x1860 ss:$0x41] =	vst.msk $0xffff, v55  }
0x27: {  	s13 =	sadd.s32 s14, s13;
	[tilespmem:s17+$0x1C70 ss:$0x41] =	vst.msk $0xffff, v56  }
0x28: {  	[hbm4b:s13+s9] =	stream.strided.scatter [tilespmem:s15], [sflag:$0x2], $0x4000, s10, s9, $0x18;
	[tilespmem:$0x10200] =	vst v63  }
.LBB1_5:
0x29: {  	s15 =	sadd.s32 $0x2, s11  }
0x2a: {  	p2 =	sgt.s32 s15, $0x63  }
0x2b: {  	s15 =	smov.u32 @p2 s3;
	p2 =	sne.s32 s12, s8  }
.Ltmp1:
0x2c: {  	p1 =	slt.u32 s12, $0x2;
	(pc) =	sbr.rel @!p2 .LBB1_6-.Ltmp1, $4  }
0x2d: {  	s13 =	simm.s32 @!p1 $0x2  }
0x2e: {  	s16 =	sadd.s32 $0x1, s12;
	s14 =	smov.u32 s11;
	_ =	swait.ge @!p1 [sflag:s13], $0x4000  }
0x2f: {  	p0 =	por !p0, !p0;
	s12 =	smov.u32 s16;
	[sflag:s13] =	ssyncset.done @!p1 $0x0  }
0x30: {  	s11 =	smov.u32 s15;
	[sflag:s13] =	ssyncadd.s32 @!p1 $0xFFFFC000;
	s13 =	smov.u32 s2  }
.LBB1_1:
0x31: {  	p1 =	sge.u32 s12, s5  }
0x32: {  	s31 =	sadd.s32 $0xFFFFFFFF, s12;
	s15 =	sxor.u32 @!p1 $0xFFFFFFFF, s12  }
0x33: {  	s16 =	sshll.u32 @!p1 s11, $0xF;
	s17 =	simm.s32 @!p1 $0x800;
	s15 =	sshll.u32 @!p1 s15, $0xE  }
0x34: {  	s18 =	simm.s32 @!p1 $0x8000;
	s16 =	sadd.s32 @!p1 s16, s7;
	s15 =	sand.u32 @!p1 $0x4000, s15  }
0x35: {  	[tilespmem:s15], [sflag:$0x1] =	stream.strided.gather @!p1 [hbm4b:s16+s17], $0x4000, s18, s17, $0x38;
	[tilespmem:$0x10200] =	vst v63  }
0x36: {  	p1 =	sge.u32 s31, s5  }
.Ltmp2:
0x37: {  	_ = 	snop;
	(pc) =	sbr.rel @p1 .LBB1_5-.Ltmp2, $1  }
0x38: {  	_ =	sdelay $0x3  }
0x39: {  	s18 =	simm.s32 $0x0  }
0x3a: {  	s17 =	sand.u32 $0x3800, s18;
	s19 =	sand.u32 $0x380, s18  }
0x3b: {  	s15 =	sand.u32 $0x1, s12;
	s17 =	sor.u32 s19, s17  }
0x3c: {  	_ =	swait.ge [sflag:s4], $0x4000;
	s16 =	sshll.u32 s15, $0xE;
	s19 =	sand.u32 $0x3B00, s17  }
0x3d: {  	[sflag:s4] =	ssyncset.done $0x0;
	s18 =	sand.u32 $0x80, s18;
	s19 =	sadd.s32 s19, s16  }
0x3e: {  	[sflag:s4] =	ssyncadd.s32 $0xFFFFC000;
	s21 =	sadd.s32 s18, s19  }
0x3f: {  	v4 =	vld [tilespmem:s21+$0x400]  }
0x40: {  	s20 =	simm.s32 $0x1;
	v5 =	vld [tilespmem:s21+$0x0]  }
0x41: {  	s20 =	simm.s32 @!p0 $0x0;
	v6 =	vld [tilespmem:s21+$0x10]  }
0x42: {  	v0 =	vmov s16;
	s31 =	smul.u32 $0x10400, s20;
	v7 =	vld [tilespmem:s21+$0x20]  }
0x43: {  	v9 =	vld [tilespmem:s21+$0x30]  }
0x44: {  	s18 =	sshrl.u32 s31, $0x2;
	v10 =	vld [tilespmem:s21+$0x40]  }
0x45: {  	s18 =	sor.u32 $0x8000, s18;
	v11 =	vld [tilespmem:s21+$0x50]  }
0x46: {  	v8 =	vld [tilespmem:s21+$0x60];
	s19 =	sadd.s32 $0x0, s18  }
0x47: {  	v1 =	vld.idx.msk [tilespmem:v0+s17+$0x410 ss:$0x1], $0xffff;
	[tilespmem:s19+$0x2080 ss:$0x41] =	vst.msk $0xffff, v4  }
0x48: {  	v2 =	vld.idx.msk [tilespmem:v0+s17+$0x420 ss:$0x1], $0xffff;
	[tilespmem:s19+$0x0 ss:$0x41] =	vst.msk $0xffff, v5  }
0x49: {  	v3 =	vld.idx.msk [tilespmem:v0+s17+$0x430 ss:$0x1], $0xffff;
	[tilespmem:s19+$0x410 ss:$0x41] =	vst.msk $0xffff, v6  }
0x4a: {  	s15 =	smul.u32 $0x10400, s15;
	[tilespmem:s19+$0x820 ss:$0x41] =	vst.msk $0xffff, v7;
	v7 =	vld [tilespmem:s21+$0x70]  }
0x4b: {  	s22 =	simm.s32 $0x100;
	s23 =	simm.s32 $0x8;
	[tilespmem:s19+$0xC30 ss:$0x41] =	vst.msk $0xffff, v9;
	v4 =	vld.idx.msk [tilespmem:v0+s17+$0x440 ss:$0x1], $0xffff  }
0x4c: {  	s24 =	sand.u32 $0x3800, s22;
	s15 =	sshrl.u32 s15, $0x2;
	[tilespmem:s19+$0x1040 ss:$0x41] =	vst.msk $0xffff, v10;
	v5 =	vld.idx.msk [tilespmem:v0+s17+$0x450 ss:$0x1], $0xffff;
	s21 =	simm.s32 $0x80  }
0x4d: {  	s20 =	simm.s32 $0x4;
	s15 =	sor.u32 $0x8000, s15;
	[tilespmem:s19+$0x1450 ss:$0x41] =	vst.msk $0xffff, v11;
	v6 =	vld.idx.msk [tilespmem:v0+s17+$0x460 ss:$0x1], $0xffff;
	s25 =	sand.u32 $0x380, s21  }
.LBB1_3:
0x4e: {  	p1 =	sne.s32 s23, $0xFC;
	[tilespmem:s19+$0x1860 ss:$0x41] =	vst.msk $0xffff, v8;
	v8 =	vld.idx.msk [tilespmem:v0+s17+$0x470 ss:$0x1], $0xffff;
	s17 =	sor.u32 s25, s24  }
0x4f: {  	s24 =	sand.u32 $0x3B00, s17;
	v9 =	vld.idx.msk [tilespmem:v0+s17+$0x410 ss:$0x1], $0xffff;
	[tilespmem:s19+$0x1C70 ss:$0x41] =	vst.msk $0xffff, v7  }
0x50: {  	s25 =	sand.u32 $0x80, s21;
	s24 =	sadd.s32 s24, s16;
	v7 =	vld.idx.msk [tilespmem:v0+s17+$0x420 ss:$0x1], $0xffff;
	[tilespmem:s19+$0x2490 ss:$0x41] =	vst.msk $0xffff, v1  }
0x51: {  	s24 =	sadd.s32 s25, s24;
	v10 =	vld.idx.msk [tilespmem:v0+s17+$0x430 ss:$0x1], $0xffff;
	[tilespmem:s19+$0x28A0 ss:$0x41] =	vst.msk $0xffff, v2  }
0x52: {  	v11 =	vld [tilespmem:s24+$0x400];
	[tilespmem:s19+$0x2CB0 ss:$0x41] =	vst.msk $0xffff, v3  }
0x53: {  	v12 =	vld [tilespmem:s24+$0x0];
	[tilespmem:s19+$0x30C0 ss:$0x41] =	vst.msk $0xffff, v4  }
0x54: {  	v4 =	vld [tilespmem:s24+$0x10];
	[tilespmem:s19+$0x34D0 ss:$0x41] =	vst.msk $0xffff, v5  }
0x55: {  	s25 =	sshra.s32 s20, $0x2;
	s20 =	smov.u32 s23;
	v1 =	vmov v9;
	v5 =	vld [tilespmem:s24+$0x20];
	[tilespmem:s19+$0x38E0 ss:$0x41] =	vst.msk $0xffff, v6  }
0x56: {  	v2 =	vmov v7;
	v6 =	vld [tilespmem:s24+$0x30];
	[tilespmem:s19+$0x3CF0 ss:$0x41] =	vst.msk $0xffff, v8;
	s19 =	sadd.s32 s25, s18  }
0x57: {  	v3 =	vmov v10;
	v9 =	vld [tilespmem:s24+$0x40];
	[tilespmem:s19+$0x2080 ss:$0x41] =	vst.msk $0xffff, v11  }
0x58: {  	[tilespmem:s19+$0x0 ss:$0x41] =	vst.msk $0xffff, v12;
	v10 =	vld [tilespmem:s24+$0x50]  }
.Ltmp3:
0x59: {  	[tilespmem:s19+$0x410 ss:$0x41] =	vst.msk $0xffff, v4;
	v8 =	vld [tilespmem:s24+$0x60];
	(pc) =	sbr.rel @p1 .LBB1_3-.Ltmp3, $4  }
0x5a: {  	[tilespmem:s19+$0x820 ss:$0x41] =	vst.msk $0xffff, v5;
	v7 =	vld [tilespmem:s24+$0x70]  }
0x5b: {  	[tilespmem:s19+$0xC30 ss:$0x41] =	vst.msk $0xffff, v6;
	v4 =	vld.idx.msk [tilespmem:v0+s17+$0x440 ss:$0x1], $0xffff  }
0x5c: {  	s21 =	sadd.s32 $0x80, s21;
	s22 =	sadd.s32 $0x100, s22;
	[tilespmem:s19+$0x1040 ss:$0x41] =	vst.msk $0xffff, v9;
	v5 =	vld.idx.msk [tilespmem:v0+s17+$0x450 ss:$0x1], $0xffff  }
0x5d: {  	s23 =	sadd.s32 $0x4, s23;
	s25 =	sand.u32 $0x380, s21;
	s24 =	sand.u32 $0x3800, s22;
	[tilespmem:s19+$0x1450 ss:$0x41] =	vst.msk $0xffff, v10;
	v6 =	vld.idx.msk [tilespmem:v0+s17+$0x460 ss:$0x1], $0xffff  }
.Ltmp4:
0x5e: {  	_ = 	snop;
	(pc) =	sbr.rel .LBB1_4-.Ltmp4, $1  }
0x5f: {  	_ =	sdelay $0x3  }
.LBB1_6:
0x60: {  	_ =	sfence.sel $0x180000  }
0x61: {  	s2 =	simm.s32 $0x1;
	[bflag:$0x0] =	sbarrier.arrive $0xFFFF  }
0x62: {  	s31 =	simm.s32 $0x2;
	[sflag:s2] =	ssyncpa.u1 $0x1  }
0x63: {  	[sflag:s31] =	ssyncpa.u1 $0x1  }
0x64: {  	p0 =	sne.s32 s0, $0x0;
	_ =	strace $0x90000047  }
0x65: {  	s0 =	sadd.s32 @!p0 $0x100000, s1;
	[bflag:$0x2] =	sbarrier.arrive $0xFFFF  }
0x66: {  	[sflag:s0] =	ssyncadd.tile.s32 @!p0 $0x1;
	_ =	shalt  }
.Lfunc_end1:
_tile_overlayer_lowered:
.L_overlay_start_2:
0x67: {  	(tag) =	ssettag $0x2  }
0x68: {  	s0 =	rddreg [dreg:$0x0];
	s2 =	stileid.u32  }
0x69: {  	s1 =	rddreg [dreg:$0x1];
	p0 =	sne.s32 s2, $0x0  }
0x6a: {  	s3 =	rddreg [dreg:$0x2];
	[bflag:$0x3] =	sbarrier.arrive $0xFFFF;
	s2 =	simm.s32 @!p0 $0x1C01  }
0x6b: {  	[timem:s3], [sflag:s2] =	dma.local @!p0 [hbm:s0], s1  }
0x6c: {  	s0 =	simm.s32 @!p0 $0x1  }
0x6d: {  	_ =	swait.ge @!p0 [sflag:s0], s1  }
0x6e: {  	s1 =	ssub.s32 @!p0 $0x0, s1;
	[sflag:s0] =	ssyncset.done @!p0 $0x0  }
0x6f: {  	[sflag:s0] =	ssyncadd.s32 @!p0 s1  }
0x70: {  	[bflag:$0x3] =	sbarrier.arrive $0xFFFF  }
0x71: {  	_ =	shalt  }

// kernel: sparse-core-data-format-call.cloned.1.call-start
scs
called_computation_lowered:
.L_overlay_start_0:
0x0: {  	s2 =	sld [smem:$0x3FD9]  }
0x1: {  	s3 =	sld [smem:$0x3FFE];
	_ =	sdelay $0x1  }
0x2: {  	s1 =	srdreg.scid  }
0x3: {  	s0 =	sand.u32 $0x1, s1  }
0x4: {  	s18 =	sshll.u32 s0, $0xA;
	s2 =	sadd.s32 s3, s2  }
0x5: {  	s2 =	sadd.s32 s2, s18  }
0x6: {  	[smem:$0x3FC5] =	sst s2  }
0x7: {  	_ = 	snop  }
0x8: {  	s2 =	sld [smem:$0x3FD0];
	(tm) =	ssettm $0x1  }
0x9: {  	s19 =	sld [smem:$0x3FFB];
	_ =	sdelay $0x3  }
0xa: {  	_ =	strace s19  }
0xb: {  	s3 =	sld [smem:$0x3FFC];
	_ =	sdelay $0x3  }
0xc: {  	_ =	strace s3  }
0xd: {  	s3 =	sld [smem:$0x3FFD];
	_ =	sdelay $0x3  }
0xe: {  	_ =	strace s3  }
0xf: {  	_ =	strace $0x8FFFFFFF  }
0x10: {  	s20 =	sld [smem:$0x3FDB];
	_ =	sdelay $0x1  }
0x11: {  	s4 =	simm.s32 $_scs_section_size  }
0x12: {  	s5 =	simm.s32 $_size__tile_overlayer_lowered;
	s6 =	simm.s32 $_tile_overlayer_lowered  }
0x13: {  	s23 =	simm.s32 $0x1BFF;
	s22 =	sshll.u32 s6, $0x1;
	s3 =	sadd.s32 s4, s20  }
0x14: {  	s7 =	simm.s32 $0x0;
	s21 =	sshll.u32 s5, $0x1;
	s5 =	sadd.s32 s22, s3  }
0x15: {  	[timem:s7], [sflag:s23] =	dma.local [hbm:s5], s21  }
0x16: {  	_ =	swait.ge [sflag:s23], s21  }
0x17: {  	s4 =	ssub.s32 $0x0, s21;
	[sflag:s23] =	ssyncset.done $0x0  }
0x18: {  	[sflag:s23] =	ssyncadd.s32 s4;
	_ =	sdelay $0x1  }
0x19: {  	s24 =	simm.s32 $0x1B8B  }
0x1a: {  	_ =	swait.ge [sflag:s24], $0x1  }
0x1b: {  	[sflag:s24] =	ssyncset.done $0x0  }
0x1c: {  	s26 =	simm.s32 $0x1B8E;
	s25 =	sld [smem:$0x3FFE];
	[sflag:s24] =	ssyncadd.s32 $0xFFFFFFFF  }
0x1d: {  	s27 =	simm.s32 $execute0_lowered;
	[smem:$0x3FD2] =	sst s26  }
0x1e: {  	s5 =	sshll.u32 s27, $0x1;
	_ =	strace $0x8000004C;
	[dreg:$0x1] =	wrdreg $0xFFFFFFFF  }
0x1f: {  	s28 =	simm.s32 $_size_execute0_lowered;
	s3 =	sadd.s32 s3, s5;
	[dreg:$0x0] =	wrdreg $0x0  }
0x20: {  	s5 =	sshll.u32 s28, $0x1;
	[dreg:$0x2] =	wrdreg s3  }
0x21: {  	[dreg:$0x3] =	wrdreg s5  }
0x22: {  	[dreg:$0x4] =	wrdreg $0xC0  }
0x23: {  	_ =	task [dreg:s7], $0x5FFFF  }
0x24: {  	[dreg:$0x1] =	wrdreg $0xFFFFFFFF  }
0x25: {  	[dreg:$0x0] =	wrdreg $0x60  }
0x26: {  	[dreg:$0x2] =	wrdreg s25  }
0x27: {  	[dreg:$0x3] =	wrdreg s2  }
0x28: {  	[dreg:$0x4] =	wrdreg $0x9  }
0x29: {  	_ =	task.clear_ibuf [dreg:s7], $0x5FFFF;
	_ =	strace $0x9000004C  }
0x2a: {  	s29 =	simm.s32 $0x9;
	_ =	strace $0x8000004E  }
0x2b: {  	_ =	swait.ge [sflag:s29], $0x1  }
0x2c: {  	[sflag:s29] =	ssyncadd.s32 $0xFFFFFFFF  }
0x2d: {  	_ =	strace $0x9000004E  }
0x2e: {  	_ =	sfence  }
0x2f: {  	s30 =	sld [smem:$0x0];
	_ =	sdelay $0x2  }
0x30: {  	s31 =	sshll.u32 s1, $0xD;
	s1 =	sshrl.u32 s1, $0x2  }
0x31: {  	s3 =	sand.u32 $0x4000, s31;
	s1 =	sadd.s32 s1, s30  }
0x32: {  	s0 =	sor.u32 s3, s0;
	s1 =	sshll.u32 s1, $0x11  }
0x33: {  	s0 =	sor.u32 s1, s0  }
0x34: {  	s0 =	sadd.s32 $0x8F2B, s0  }
0x35: {  	[sflag:s0] =	ssyncadd.remote.s32 $0x1  }
0x36: {  	_ =	sfence.sel $0xFFFF  }
0x37: {  	[dreg:$0x0] =	wrdreg $0xFFFFFFFF;
	(pc) =	sbr.abs _section_cstart, $3  }
0x38: {  	[dreg:$0x1] =	wrdreg $0xFFFFFFFF  }
0x39: {  	_ =	task.clear_ibuf [dreg:s7], $0x2FFFF;
	_ =	strace $0x9FFFFFFF  }
0x3a: {  	(tm) =	ssettm $0x7FFFFFFF  }
0x3b: {  	_ =	shalt  }
tec
execute0_lowered:
.L_overlay_start_1:
0x0: {  	(tag) =	ssettag $0x1  }
0x1: {  	s0 =	srdreg.scid  }
0x2: {  	s1 =	sshll.u32 s0, $0x4  }
0x3: {  	s0 =	stileid.u32;
	s1 =	sand.u32 $0x10, s1  }
0x4: {  	s6 =	rddreg [dreg:$0x0];
	s1 =	sor.u32 s0, s1  }
0x5: {  	s4 =	simm.s32 $0x1;
	s7 =	simm.s32 $0x2;
	s2 =	sshll.u32 s1, $0x5  }
0x6: {  	s14 =	simm.s32 $0x0;
	s8 =	simm.s32 $0x1000;
	s1 =	ssub.s32 $0x1000, s2  }
0x7: {  	s9 =	simm.s32 $0x80000;
	s10 =	simm.s32 $0x0;
	s3 =	sand.u32 $0x3E0, s1  }
0x8: {  	s15 =	simm.s32 $0x0;
	s5 =	sshrl.u32 s1, $0xA;
	p0 =	sne.s32 s3, $0x0  }
.Ltmp0:
0x9: {  	s1 =	rddreg [dreg:$0x2];
	s4 =	simm.s32 @!p0 $0x0;
	(pc) =	sbr.rel .LBB1_1-.Ltmp0, $4  }
0xa: {  	s11 =	simm.s32 $0x0;
	s3 =	rddreg [dreg:$0x1];
	s5 =	sadd.s32 s4, s5  }
0xb: {  	_ =	strace $0x8000004D;
	s4 =	simm.s32 $0x1;
	s5 =	smul.u32 $0x19, s5  }
0xc: {  	s13 =	simm.s32 $0x0;
	s6 =	sadd.s32 $0x960600, s6;
	[sflag:s4] =	ssyncpa.u1 $0x0  }
0xd: {  	s12 =	smov.u32 s2;
	[sflag:s7] =	ssyncpa.u1 $0x0;
	s7 =	sadd.s32 $0x1, s5  }
.LBB1_7:
0xe: {  	s16 =	sadd.s32 $0x4, s11  }
0xf: {  	s14 =	sadd.s32 $0x400, s12;
	s18 =	smov.u32 s12;
	p1 =	sgt.s32 s16, $0x63  }
0x10: {  	s18 =	smov.u32 @p1 s14  }
0x11: {  	s16 =	simm.s32 @p1 $0x0;
	p1 =	sgt.s32 s18, $0xFFF  }
0x12: {  	s18 =	smov.u32 @p1 s2;
	p1 =	sne.s32 s13, s7  }
.Ltmp1:
0x13: {  	p0 =	slt.u32 s13, $0x2;
	(pc) =	sbr.rel @!p1 .LBB1_8-.Ltmp1, $4  }
0x14: {  	s17 =	simm.s32 @!p0 $0x2  }
0x15: {  	s15 =	smov.u32 s12;
	s10 =	sadd.s32 $0x4000, s10;
	_ =	swait.ge @!p0 [sflag:s17], $0x4000  }
0x16: {  	s14 =	smov.u32 s11;
	[sflag:s17] =	ssyncset.done @!p0 $0x0;
	s11 =	smov.u32 s16  }
0x17: {  	s13 =	sadd.s32 $0x1, s13;
	[sflag:s17] =	ssyncadd.s32 @!p0 $0xFFFFC000;
	s12 =	smov.u32 s18  }
.LBB1_1:
0x18: {  	p0 =	sge.u32 s13, s5  }
0x19: {  	s16 =	sand.u32 @!p0 $0x1FFFFFF, s11  }
0x1a: {  	s17 =	smulhi.u32 @!p0 $0x2762763, s16;
	_ =	sdelay $0x1  }
0x1b: {  	s17 =	smul.u32 @!p0 $0x68, s17  }
0x1c: {  	s18 =	sxor.u32 @!p0 $0xFFFFFFFF, s13;
	s19 =	smul.u32 @!p0 $0x680, s12  }
0x1d: {  	s31 =	sadd.s32 $0xFFFFFFFF, s13;
	s18 =	sshll.u32 @!p0 s18, $0xE;
	s16 =	ssub.s32 @!p0 s16, s17  }
0x1e: {  	s17 =	sand.u32 @!p0 $0x4000, s18;
	s18 =	sadd.s32 @!p0 s6, s19;
	s16 =	sshll.u32 @!p0 s16, $0x4  }
0x1f: {  	s19 =	simm.s32 @!p0 $0x3400;
	s16 =	sadd.s32 @!p0 s16, s18;
	s18 =	simm.s32 @!p0 $0x200  }
0x20: {  	[tilespmem:s17], [sflag:$0x1] =	stream.strided.gather @!p0 [hbm4b:s16+s18], $0x4000, s19, s18, $0x38;
	[tilespmem:$0x10000] =	vst v63  }
0x21: {  	p0 =	sge.u32 s31, s5  }
.Ltmp2:
0x22: {  	_ = 	snop;
	(pc) =	sbr.rel @p0 .LBB1_7-.Ltmp2, $1  }
0x23: {  	_ =	sdelay $0x3  }
0x24: {  	s17 =	sand.u32 $0x4000, s10  }
0x25: {  	_ =	swait.ge [sflag:s4], $0x4000;
	s19 =	sshll.u32 s13, $0xE;
	s16 =	sor.u32 $0x8040, s17  }
0x26: {  	s18 =	sor.u32 $0x40, s17;
	[sflag:s4] =	ssyncset.done $0x0;
	s31 =	sand.u32 $0x4000, s19  }
0x27: {  	s19 =	simm.s32 $0x0;
	[sflag:s4] =	ssyncadd.s32 $0xFFFFC000;
	s17 =	sor.u32 $0x8000, s31  }
.LBB1_3:
0x28: {  	v0 =	vmov s18;
	_ =	sdelay $0x3  }
0x29: {  	s21 =	simm.s32 $0x0  }
0x2a: {  	v6 =	vld.idx.msk [tilespmem:v0+s21+$0x30 ss:$0x1], $0xffff  }
0x2b: {  	v7 =	vld.idx.msk [tilespmem:v0+s21+$0xFFFFFFC0 ss:$0x1], $0xffff  }
0x2c: {  	v5 =	vld.idx.msk [tilespmem:v0+s21+$0xFFFFFFD0 ss:$0x1], $0xffff  }
0x2d: {  	v4 =	vld.idx.msk [tilespmem:v0+s21+$0xFFFFFFE0 ss:$0x1], $0xffff  }
0x2e: {  	v3 =	vld.idx.msk [tilespmem:v0+s21+$0xFFFFFFF0 ss:$0x1], $0xffff  }
0x2f: {  	v1 =	vld.idx.msk [tilespmem:v0+s21+$0x0 ss:$0x1], $0xffff  }
0x30: {  	v2 =	vld.idx.msk [tilespmem:v0+s21+$0x10 ss:$0x1], $0xffff;
	[tilespmem:s16+$0x30] =	vst v6  }
0x31: {  	s20 =	simm.s32 $0x80;
	s22 =	simm.s32 $0x400;
	[tilespmem:s16+$0xFFFFFFC0] =	vst v7;
	v6 =	vld.idx.msk [tilespmem:v0+s21+$0x20 ss:$0x1], $0xffff;
	s21 =	smov.u32 s16  }
.LBB1_4:
0x32: {  	p0 =	sne.s32 s22, $0x600;
	v7 =	vld.idx.msk [tilespmem:v0+s20+$0x30 ss:$0x1], $0xffff;
	[tilespmem:s21+$0xFFFFFFD0] =	vst v5  }
0x33: {  	v8 =	vld.idx.msk [tilespmem:v0+s20+$0xFFFFFFC0 ss:$0x1], $0xffff;
	[tilespmem:s21+$0xFFFFFFE0] =	vst v4  }
0x34: {  	v5 =	vld.idx.msk [tilespmem:v0+s20+$0xFFFFFFD0 ss:$0x1], $0xffff;
	[tilespmem:s21+$0xFFFFFFF0] =	vst v3  }
.Ltmp3:
0x35: {  	v4 =	vld.idx.msk [tilespmem:v0+s20+$0xFFFFFFE0 ss:$0x1], $0xffff;
	[tilespmem:s21+$0x0] =	vst v1;
	(pc) =	sbr.rel @p0 .LBB1_4-.Ltmp3, $4  }
0x36: {  	v3 =	vld.idx.msk [tilespmem:v0+s20+$0xFFFFFFF0 ss:$0x1], $0xffff;
	[tilespmem:s21+$0x10] =	vst v2  }
0x37: {  	v1 =	vld.idx.msk [tilespmem:v0+s20+$0x0 ss:$0x1], $0xffff;
	[tilespmem:s21+$0x20] =	vst v6;
	s21 =	sadd.s32 $0x1000, s21  }
0x38: {  	v2 =	vld.idx.msk [tilespmem:v0+s20+$0x10 ss:$0x1], $0xffff;
	[tilespmem:s21+$0x30] =	vst v7  }
0x39: {  	[tilespmem:s21+$0xFFFFFFC0] =	vst v8;
	v6 =	vld.idx.msk [tilespmem:v0+s20+$0x20 ss:$0x1], $0xffff;
	s20 =	sshra.s32 s22, $0x2;
	s22 =	sadd.s32 $0x200, s22  }
0x3a: {  	_ =	sdelay $0x2  }
0x3b: {  	[tilespmem:s21+$0xFFFFFFD0] =	vst v5  }
0x3c: {  	v56 =	vld.idx.msk [tilespmem:v0+s20+$0x30 ss:$0x1], $0xffff;
	[tilespmem:s21+$0xFFFFFFE0] =	vst v4  }
0x3d: {  	v57 =	vld.idx.msk [tilespmem:v0+s20+$0xFFFFFFC0 ss:$0x1], $0xffff;
	[tilespmem:s21+$0xFFFFFFF0] =	vst v3  }
0x3e: {  	v58 =	vld.idx.msk [tilespmem:v0+s20+$0xFFFFFFD0 ss:$0x1], $0xffff;
	[tilespmem:s21+$0x0] =	vst v1  }
0x3f: {  	v59 =	vld.idx.msk [tilespmem:v0+s20+$0xFFFFFFE0 ss:$0x1], $0xffff;
	[tilespmem:s21+$0x10] =	vst v2  }
0x40: {  	v60 =	vld.idx.msk [tilespmem:v0+s20+$0xFFFFFFF0 ss:$0x1], $0xffff;
	s31 =	sadd.s32 $0x1000, s21;
	[tilespmem:s21+$0x20] =	vst v6  }
0x41: {  	v61 =	vld.idx.msk [tilespmem:v0+s20+$0x0 ss:$0x1], $0xffff;
	[tilespmem:s31+$0x30] =	vst v56  }
0x42: {  	v62 =	vld.idx.msk [tilespmem:v0+s20+$0x10 ss:$0x1], $0xffff;
	s19 =	sadd.s32 $0x1, s19;
	[tilespmem:s31+$0xFFFFFFC0] =	vst v57  }
0x43: {  	v63 =	vld.idx.msk [tilespmem:v0+s20+$0x20 ss:$0x1], $0xffff;
	p0 =	sne.s32 s19, $0x20;
	[tilespmem:s31+$0xFFFFFFD0] =	vst v58  }
.Ltmp4:
0x44: {  	[tilespmem:s31+$0xFFFFFFE0] =	vst v59;
	(pc) =	sbr.rel @p0 .LBB1_3-.Ltmp4, $4  }
0x45: {  	[tilespmem:s31+$0xFFFFFFF0] =	vst v60  }
0x46: {  	[tilespmem:s31+$0x0] =	vst v61  }
0x47: {  	[tilespmem:s31+$0x10] =	vst v62  }
0x48: {  	s16 =	sadd.s32 $0x80, s16;
	s18 =	sadd.s32 $0x200, s18;
	[tilespmem:s31+$0x20] =	vst v63  }
.Ltmp5:
0x49: {  	s15 =	sshll.u32 s15, $0x4;
	(pc) =	sbr.rel .LBB1_7-.Ltmp5, $4  }
0x4a: {  	s15 =	sand.u32 $0xFFF0, s15  }
0x4b: {  	s14 =	sshll.u32 s14, $0x10;
	s15 =	sadd.s32 s3, s15  }
0x4c: {  	s14 =	sadd.s32 s14, s15  }
0x4d: {  	[hbm4b:s14+s8] =	stream.strided.scatter [tilespmem:s17], [sflag:$0x2], $0x4000, s9, s8, $0x38;
	[tilespmem:$0x10000] =	vst v63  }
.LBB1_8:
0x4e: {  	_ =	sfence.sel $0x180000  }
0x4f: {  	s2 =	simm.s32 $0x1;
	[bflag:$0x0] =	sbarrier.arrive $0xFFFF  }
0x50: {  	s31 =	simm.s32 $0x2;
	[sflag:s2] =	ssyncpa.u1 $0x1  }
0x51: {  	[sflag:s31] =	ssyncpa.u1 $0x1  }
0x52: {  	p0 =	sne.s32 s0, $0x0;
	_ =	strace $0x9000004D  }
0x53: {  	s0 =	sadd.s32 @!p0 $0x100000, s1;
	[bflag:$0x2] =	sbarrier.arrive $0xFFFF  }
0x54: {  	[sflag:s0] =	ssyncadd.tile.s32 @!p0 $0x1;
	_ =	shalt  }
.Lfunc_end1:
_tile_overlayer_lowered:
.L_overlay_start_2:
0x55: {  	(tag) =	ssettag $0x2  }
0x56: {  	s0 =	rddreg [dreg:$0x0];
	s2 =	stileid.u32  }
0x57: {  	s1 =	rddreg [dreg:$0x1];
	p0 =	sne.s32 s2, $0x0  }
0x58: {  	s3 =	rddreg [dreg:$0x2];
	[bflag:$0x3] =	sbarrier.arrive $0xFFFF;
	s2 =	simm.s32 @!p0 $0x1C01  }
0x59: {  	[timem:s3], [sflag:s2] =	dma.local @!p0 [hbm:s0], s1  }
0x5a: {  	s0 =	simm.s32 @!p0 $0x1  }
0x5b: {  	_ =	swait.ge @!p0 [sflag:s0], s1  }
0x5c: {  	s1 =	ssub.s32 @!p0 $0x0, s1;
	[sflag:s0] =	ssyncset.done @!p0 $0x0  }
0x5d: {  	[sflag:s0] =	ssyncadd.s32 @!p0 s1  }
0x5e: {  	[bflag:$0x3] =	sbarrier.arrive $0xFFFF  }
0x5f: {  	_ =	shalt  }

</sc_bundles>
